<compile_context>
chip_gen: v7x
topology: tpu7x:2x2x1
jax: 0.10.2.dev20260603
libtpu: 0.0.44.dev20260713+nightly
codegen_flags: <defaults>
</compile_context>

<pallas_src>
import numpy as np
import jax
import jax.numpy as jnp
from jax.experimental import pallas as pl

_ANCHOR_W = (116.0, 156.0, 373.0)
_ANCHOR_H = (90.0, 198.0, 326.0)
_NG = 64
_NCELL = _NG * _NG
_ATTRS_IN = 87
_ATTRS_OUT = 86
_STRIDE = 512.0 / _NG


def _decode_body(x_ref, o_ref):
    a = pl.program_id(1)
    t = x_ref[0]

    s = jax.nn.sigmoid(t)

    gx = jax.lax.broadcasted_iota(jnp.int32, (_NG, _NG), 1).astype(jnp.float32)
    gy = jax.lax.broadcasted_iota(jnp.int32, (_NG, _NG), 0).astype(jnp.float32)

    aw = jnp.where(a == 0, _ANCHOR_W[0], jnp.where(a == 1, _ANCHOR_W[1], _ANCHOR_W[2]))
    ah = jnp.where(a == 0, _ANCHOR_H[0], jnp.where(a == 1, _ANCHOR_H[1], _ANCHOR_H[2]))

    px = (s[0] + gx) * _STRIDE
    py = (s[1] + gy) * _STRIDE
    pw = jnp.exp(t[2]) * aw
    plh = jnp.exp(t[3]) * ah
    theta = jnp.arctan2(jnp.tanh(t[4]), jnp.tanh(t[5])) * (90.0 / np.pi)
    zero = jnp.zeros((_NG, _NG), jnp.float32)

    five = jnp.stack([px, py, pw, plh, theta, zero, zero, zero], axis=0)

    rA = jax.lax.broadcasted_iota(jnp.int32, (8, _ATTRS_OUT), 0)
    cA = jax.lax.broadcasted_iota(jnp.int32, (8, _ATTRS_OUT), 1)
    selA = jnp.where((cA < 5) & (rA == cA), 1.0, 0.0).astype(jnp.bfloat16)
    rB = jax.lax.broadcasted_iota(jnp.int32, (_ATTRS_IN, _ATTRS_OUT), 0)
    cB = jax.lax.broadcasted_iota(jnp.int32, (_ATTRS_IN, _ATTRS_OUT), 1)
    selB = jnp.where((cB >= 5) & (rB == cB + 1), 1.0, 0.0).astype(jnp.bfloat16)

    dims = (((0,), (0,)), ((), ()))
    hi = five.astype(jnp.bfloat16)
    lo = (five - hi.astype(jnp.float32)).astype(jnp.bfloat16)
    out = (
        jax.lax.dot_general(s.astype(jnp.bfloat16), selB, dims,
                            preferred_element_type=jnp.float32)
        + jax.lax.dot_general(hi, selA, dims,
                              preferred_element_type=jnp.float32)
        + jax.lax.dot_general(lo, selA, dims,
                              preferred_element_type=jnp.float32)
    )
    o_ref[0, 0] = out.reshape(_NCELL, _ATTRS_OUT)


def kernel(x):
    nB = x.shape[0]
    out_shape = jax.ShapeDtypeStruct((nB, 3, _NCELL, _ATTRS_OUT), jnp.float32)
    out = pl.pallas_call(
        _decode_body,
        grid=(nB, 3),
        in_specs=[
            pl.BlockSpec((1, _ATTRS_IN, _NG, _NG), lambda b, a: (b, a, 0, 0)),
        ],
        out_specs=pl.BlockSpec((1, 1, _NCELL, _ATTRS_OUT), lambda b, a: (b, a, 0, 0)),
        out_shape=out_shape,
    )(x)
    return out.reshape(nB, 3 * _NCELL, _ATTRS_OUT)

# --- scband reference (transcript-rebuilt; emitter-appended) ---
"""Pipeline reference for scband-yololayer-37958920962632 (READ-ONLY COPY).

The authoritative reference and input builder live on the scoring server;
editing this copy changes nothing except your own understanding.
"""

import jax, jax.numpy as jnp
import numpy as np

ANCHORS = [(116.0, 90.0, 0.0), (156.0, 198.0, 0.0), (373.0, 326.0, 0.0)]
NUM_CLASSES = 80
IMG_DIM = 512
NA = len(ANCHORS)
BBOX_ATTRS = 7 + NUM_CLASSES


def setup_inputs(seed: int = 0) -> dict:
    key = jax.random.key(seed)
    x = jax.random.normal(key, (16, NA * BBOX_ATTRS, 64, 64), dtype=jnp.float32)
    return {"x": x}


def reference(x):
    nB = x.shape[0]
    nG = x.shape[2]
    stride = IMG_DIM / nG
    prediction = x.reshape(nB, NA, BBOX_ATTRS, nG, nG).transpose(0, 1, 3, 4, 2)
    xs = jax.nn.sigmoid(prediction[..., 0])
    ys = jax.nn.sigmoid(prediction[..., 1])
    w = prediction[..., 2]
    le = prediction[..., 3]
    sin_2theta = jnp.tanh(prediction[..., 4])
    cos_2theta = jnp.tanh(prediction[..., 5])
    pred_conf = jax.nn.sigmoid(prediction[..., 6])
    pred_cls = jax.nn.sigmoid(prediction[..., 7:])
    grid_x = jnp.tile(jnp.arange(nG, dtype=jnp.float32), (nG, 1)).reshape(1, 1, nG, nG)
    grid_y = jnp.tile(jnp.arange(nG, dtype=jnp.float32), (nG, 1)).T.reshape(1, 1, nG, nG)
    scaled_anchors = jnp.array([(a_w / stride, a_h / stride, a_t) for a_w, a_h, a_t in ANCHORS], dtype=jnp.float32)
    anchor_w = scaled_anchors[:, 0:1].reshape(1, NA, 1, 1)
    anchor_h = scaled_anchors[:, 1:2].reshape(1, NA, 1, 1)
    # .data in torch detaches -> stop_gradient here
    px = jax.lax.stop_gradient(xs) + grid_x
    py = jax.lax.stop_gradient(ys) + grid_y
    pw = jnp.exp(jax.lax.stop_gradient(w)) * anchor_w
    pl = jnp.exp(jax.lax.stop_gradient(le)) * anchor_h
    ptheta = jnp.arctan2(jax.lax.stop_gradient(sin_2theta), jax.lax.stop_gradient(cos_2theta)) / np.pi * 180.0 / 2.0
    pred_boxes = jnp.stack([px, py, pw, pl, ptheta], axis=-1)
    output = jnp.concatenate(
        (
            pred_boxes[..., :4].reshape(nB, -1, 4) * stride,
            pred_boxes[..., 4].reshape(nB, -1, 1),
            pred_conf.reshape(nB, -1, 1),
            pred_cls.reshape(nB, -1, NUM_CLASSES),
        ),
        axis=-1,
    )
    return output

if __name__ == "__main__":
    import jax
    _d = setup_inputs()
    print(jax.jit(kernel)(*tuple(_d.values())))

</pallas_src>

<mosaic_0001>
module attributes {stable_mosaic.version = 14 : i64} {
  func.func @_decode_body(%arg0: i32, %arg1: i32, %arg2: memref<1x87x64x64xf32, #tpu.memory_space<vmem>>, %arg3: memref<1x1x4096x86xf32, #tpu.memory_space<vmem>>) attributes {dimension_semantics = [#tpu.dimension_semantics<arbitrary>, #tpu.dimension_semantics<arbitrary>], iteration_bounds = array<i64: 16, 3>, scalar_prefetch = 0 : i64, scratch_operands = 0 : i64, tpu.core_type = #tpu.core_type<tc>, window_params = [{transform_indices = @transform_0, window_bounds = array<i64: 1, 87, 64, 64>}, {transform_indices = @transform_1, window_bounds = array<i64: 1, 1, 4096, 86>}]} {
    %get3A = arith.constant 0 : index
    %get3A_0 = arith.constant 0 : index
    %get3A_1 = arith.constant 0 : index
    %get3A_2 = arith.constant 0 : index
    %get3A_3 = vector.load %arg2[%get3A, %get3A_0, %get3A_1, %get3A_2] : memref<1x87x64x64xf32, #tpu.memory_space<vmem>>, vector<1x87x64x64xf32>
    %get3A_4 = vector.shape_cast %get3A_3 : vector<1x87x64x64xf32> to vector<87x64x64xf32>
    %logistic3A = arith.negf %get3A_4 : vector<87x64x64xf32>
    %logistic3A_5 = math.exp %logistic3A : vector<87x64x64xf32>
    %logistic3A_6 = arith.constant 1.000000e+00 : f32
    %logistic3A_7 = vector.broadcast %logistic3A_6 : f32 to vector<87x64x64xf32>
    %logistic3A_8 = arith.addf %logistic3A_7, %logistic3A_5 : vector<87x64x64xf32>
    %logistic3A_9 = arith.divf %logistic3A_7, %logistic3A_8 : vector<87x64x64xf32>
    %iota3A = tpu.iota {dimensions = array<i32: 1>} : vector<64x64xi32>
    %convert_element_type3A = arith.sitofp %iota3A : vector<64x64xi32> to vector<64x64xf32>
    %iota3A_10 = tpu.iota {dimensions = array<i32: 0>} : vector<64x64xi32>
    %convert_element_type3A_11 = arith.sitofp %iota3A_10 : vector<64x64xi32> to vector<64x64xf32>
    %eq3A = arith.constant 0 : i32
    %eq3A_12 = arith.cmpi eq, %arg1, %eq3A : i32
    %eq3A_13 = arith.constant 1 : i32
    %eq3A_14 = arith.cmpi eq, %arg1, %eq3A_13 : i32
    %jit3A = arith.constant 1.560000e+02 : f32
    %jit3A_15 = arith.constant 3.730000e+02 : f32
    %select_n3A = arith.select %eq3A_14, %jit3A, %jit3A_15 : f32
    %jit3A_16 = arith.constant 1.160000e+02 : f32
    %select_n3A_17 = arith.select %eq3A_12, %jit3A_16, %select_n3A : f32
    %eq3A_18 = arith.constant 0 : i32
    %eq3A_19 = arith.cmpi eq, %arg1, %eq3A_18 : i32
    %eq3A_20 = arith.constant 1 : i32
    %eq3A_21 = arith.cmpi eq, %arg1, %eq3A_20 : i32
    %jit3A_22 = arith.constant 1.980000e+02 : f32
    %jit3A_23 = arith.constant 3.260000e+02 : f32
    %select_n3A_24 = arith.select %eq3A_21, %jit3A_22, %jit3A_23 : f32
    %jit3A_25 = arith.constant 9.000000e+01 : f32
    %select_n3A_26 = arith.select %eq3A_19, %jit3A_25, %select_n3A_24 : f32
    %slice3A = vector.extract_strided_slice %logistic3A_9 {offsets = [0, 0, 0], sizes = [1, 64, 64], strides = [1, 1, 1]} : vector<87x64x64xf32> to vector<1x64x64xf32>
    %squeeze3A = vector.shape_cast %slice3A : vector<1x64x64xf32> to vector<64x64xf32>
    %add3A = arith.addf %squeeze3A, %convert_element_type3A : vector<64x64xf32>
    %mul3A = arith.constant 8.000000e+00 : f32
    %mul3A_27 = vector.broadcast %mul3A : f32 to vector<64x64xf32>
    %mul3A_28 = arith.mulf %add3A, %mul3A_27 : vector<64x64xf32>
    %slice3A_29 = vector.extract_strided_slice %logistic3A_9 {offsets = [1, 0, 0], sizes = [1, 64, 64], strides = [1, 1, 1]} : vector<87x64x64xf32> to vector<1x64x64xf32>
    %squeeze3A_30 = vector.shape_cast %slice3A_29 : vector<1x64x64xf32> to vector<64x64xf32>
    %add3A_31 = arith.addf %squeeze3A_30, %convert_element_type3A_11 : vector<64x64xf32>
    %mul3A_32 = arith.constant 8.000000e+00 : f32
    %mul3A_33 = vector.broadcast %mul3A_32 : f32 to vector<64x64xf32>
    %mul3A_34 = arith.mulf %add3A_31, %mul3A_33 : vector<64x64xf32>
    %slice3A_35 = vector.extract_strided_slice %get3A_4 {offsets = [2, 0, 0], sizes = [1, 64, 64], strides = [1, 1, 1]} : vector<87x64x64xf32> to vector<1x64x64xf32>
    %squeeze3A_36 = vector.shape_cast %slice3A_35 : vector<1x64x64xf32> to vector<64x64xf32>
    %exp3A = math.exp %squeeze3A_36 : vector<64x64xf32>
    %mul3A_37 = vector.broadcast %select_n3A_17 : f32 to vector<64x64xf32>
    %mul3A_38 = arith.mulf %exp3A, %mul3A_37 : vector<64x64xf32>
    %slice3A_39 = vector.extract_strided_slice %get3A_4 {offsets = [3, 0, 0], sizes = [1, 64, 64], strides = [1, 1, 1]} : vector<87x64x64xf32> to vector<1x64x64xf32>
    %squeeze3A_40 = vector.shape_cast %slice3A_39 : vector<1x64x64xf32> to vector<64x64xf32>
    %exp3A_41 = math.exp %squeeze3A_40 : vector<64x64xf32>
    %mul3A_42 = vector.broadcast %select_n3A_26 : f32 to vector<64x64xf32>
    %mul3A_43 = arith.mulf %exp3A_41, %mul3A_42 : vector<64x64xf32>
    %slice3A_44 = vector.extract_strided_slice %get3A_4 {offsets = [4, 0, 0], sizes = [1, 64, 64], strides = [1, 1, 1]} : vector<87x64x64xf32> to vector<1x64x64xf32>
    %squeeze3A_45 = vector.shape_cast %slice3A_44 : vector<1x64x64xf32> to vector<64x64xf32>
    %tanh3A = math.tanh %squeeze3A_45 : vector<64x64xf32>
    %slice3A_46 = vector.extract_strided_slice %get3A_4 {offsets = [5, 0, 0], sizes = [1, 64, 64], strides = [1, 1, 1]} : vector<87x64x64xf32> to vector<1x64x64xf32>
    %squeeze3A_47 = vector.shape_cast %slice3A_46 : vector<1x64x64xf32> to vector<64x64xf32>
    %tanh3A_48 = math.tanh %squeeze3A_47 : vector<64x64xf32>
    %atan23A = math.atan2 %tanh3A, %tanh3A_48 : vector<64x64xf32>
    %mul3A_49 = arith.constant 28.6478901 : f32
    %mul3A_50 = vector.broadcast %mul3A_49 : f32 to vector<64x64xf32>
    %mul3A_51 = arith.mulf %atan23A, %mul3A_50 : vector<64x64xf32>
    %broadcast_in_dim3A = arith.constant 0.000000e+00 : f32
    %broadcast_in_dim3A_52 = vector.broadcast %broadcast_in_dim3A : f32 to vector<64x64xf32>
    %stack3A = vector.shape_cast %mul3A_28 : vector<64x64xf32> to vector<1x64x64xf32>
    %stack3A_53 = vector.shape_cast %mul3A_34 : vector<64x64xf32> to vector<1x64x64xf32>
    %stack3A_54 = vector.shape_cast %mul3A_38 : vector<64x64xf32> to vector<1x64x64xf32>
    %stack3A_55 = vector.shape_cast %mul3A_43 : vector<64x64xf32> to vector<1x64x64xf32>
    %stack3A_56 = vector.shape_cast %mul3A_51 : vector<64x64xf32> to vector<1x64x64xf32>
    %stack3A_57 = vector.shape_cast %broadcast_in_dim3A_52 : vector<64x64xf32> to vector<1x64x64xf32>
    %stack3A_58 = vector.shape_cast %broadcast_in_dim3A_52 : vector<64x64xf32> to vector<1x64x64xf32>
    %stack3A_59 = vector.shape_cast %broadcast_in_dim3A_52 : vector<64x64xf32> to vector<1x64x64xf32>
    %stack3A_60 = tpu.concatenate %stack3A, %stack3A_53, %stack3A_54, %stack3A_55, %stack3A_56, %stack3A_57, %stack3A_58, %stack3A_59 in 0 : vector<1x64x64xf32>, vector<1x64x64xf32>, vector<1x64x64xf32>, vector<1x64x64xf32>, vector<1x64x64xf32>, vector<1x64x64xf32>, vector<1x64x64xf32>, vector<1x64x64xf32> -> vector<8x64x64xf32>
    %iota3A_61 = tpu.iota {dimensions = array<i32: 0>} : vector<8x86xi32>
    %iota3A_62 = tpu.iota {dimensions = array<i32: 1>} : vector<8x86xi32>
    %lt3A = arith.constant 5 : i32
    %lt3A_63 = vector.broadcast %lt3A : i32 to vector<8x86xi32>
    %lt3A_64 = arith.cmpi slt, %iota3A_62, %lt3A_63 : vector<8x86xi32>
    %eq3A_65 = arith.cmpi eq, %iota3A_61, %iota3A_62 : vector<8x86xi32>
    %and3A = arith.andi %lt3A_64, %eq3A_65 : vector<8x86xi1>
    %jit3A_66 = arith.constant 1.000000e+00 : f32
    %jit3A_67 = arith.constant 0.000000e+00 : f32
    %broadcast_in_dim3A_68 = vector.broadcast %jit3A_66 : f32 to vector<8x86xf32>
    %broadcast_in_dim3A_69 = vector.broadcast %jit3A_67 : f32 to vector<8x86xf32>
    %select_n3A_70 = arith.select %and3A, %broadcast_in_dim3A_68, %broadcast_in_dim3A_69 : vector<8x86xi1>, vector<8x86xf32>
    %convert_element_type3A_71 = arith.truncf %select_n3A_70 : vector<8x86xf32> to vector<8x86xbf16>
    %iota3A_72 = tpu.iota {dimensions = array<i32: 0>} : vector<87x86xi32>
    %iota3A_73 = tpu.iota {dimensions = array<i32: 1>} : vector<87x86xi32>
    %ge3A = arith.constant 5 : i32
    %ge3A_74 = vector.broadcast %ge3A : i32 to vector<87x86xi32>
    %ge3A_75 = arith.cmpi sge, %iota3A_73, %ge3A_74 : vector<87x86xi32>
    %add3A_76 = arith.constant 1 : i32
    %add3A_77 = vector.broadcast %add3A_76 : i32 to vector<87x86xi32>
    %add3A_78 = arith.addi %iota3A_73, %add3A_77 : vector<87x86xi32>
    %eq3A_79 = arith.cmpi eq, %iota3A_72, %add3A_78 : vector<87x86xi32>
    %and3A_80 = arith.andi %ge3A_75, %eq3A_79 : vector<87x86xi1>
    %jit3A_81 = arith.constant 1.000000e+00 : f32
    %jit3A_82 = arith.constant 0.000000e+00 : f32
    %broadcast_in_dim3A_83 = vector.broadcast %jit3A_81 : f32 to vector<87x86xf32>
    %broadcast_in_dim3A_84 = vector.broadcast %jit3A_82 : f32 to vector<87x86xf32>
    %select_n3A_85 = arith.select %and3A_80, %broadcast_in_dim3A_83, %broadcast_in_dim3A_84 : vector<87x86xi1>, vector<87x86xf32>
    %convert_element_type3A_86 = arith.truncf %select_n3A_85 : vector<87x86xf32> to vector<87x86xbf16>
    %convert_element_type3A_87 = arith.truncf %stack3A_60 : vector<8x64x64xf32> to vector<8x64x64xbf16>
    %convert_element_type3A_88 = arith.extf %convert_element_type3A_87 : vector<8x64x64xbf16> to vector<8x64x64xf32>
    %sub3A = arith.subf %stack3A_60, %convert_element_type3A_88 : vector<8x64x64xf32>
    %convert_element_type3A_89 = arith.truncf %sub3A : vector<8x64x64xf32> to vector<8x64x64xbf16>
    %convert_element_type3A_90 = arith.truncf %logistic3A_9 : vector<87x64x64xf32> to vector<87x64x64xbf16>
    %dot_general3A = arith.constant dense<0.000000e+00> : vector<64x64x86xf32>
    %dot_general3A_91 = tpu.matmul %convert_element_type3A_90, %convert_element_type3A_86, %dot_general3A {dimension_numbers = #tpu.dot_dimension_numbers<[0], [0], [1, 2], [1], [0, 1, 0, 2, 1, 1], [], []>, transpose_lhs_hint = false} : vector<87x64x64xbf16>, vector<87x86xbf16>, vector<64x64x86xf32> -> vector<64x64x86xf32>
    %dot_general3A_92 = arith.constant dense<0.000000e+00> : vector<64x64x86xf32>
    %dot_general3A_93 = tpu.matmul %convert_element_type3A_87, %convert_element_type3A_71, %dot_general3A_92 {dimension_numbers = #tpu.dot_dimension_numbers<[0], [0], [1, 2], [1], [0, 1, 0, 2, 1, 1], [], []>, transpose_lhs_hint = false} : vector<8x64x64xbf16>, vector<8x86xbf16>, vector<64x64x86xf32> -> vector<64x64x86xf32>
    %add3A_94 = arith.addf %dot_general3A_91, %dot_general3A_93 : vector<64x64x86xf32>
    %dot_general3A_95 = arith.constant dense<0.000000e+00> : vector<64x64x86xf32>
    %dot_general3A_96 = tpu.matmul %convert_element_type3A_89, %convert_element_type3A_71, %dot_general3A_95 {dimension_numbers = #tpu.dot_dimension_numbers<[0], [0], [1, 2], [1], [0, 1, 0, 2, 1, 1], [], []>, transpose_lhs_hint = false} : vector<8x64x64xbf16>, vector<8x86xbf16>, vector<64x64x86xf32> -> vector<64x64x86xf32>
    %add3A_97 = arith.addf %add3A_94, %dot_general3A_96 : vector<64x64x86xf32>
    %reshape3A = vector.shape_cast %add3A_97 : vector<64x64x86xf32> to vector<4096x86xf32>
    %swap3A = arith.constant 0 : index
    %swap3A_98 = arith.constant 0 : index
    %swap3A_99 = arith.constant 0 : index
    %swap3A_100 = arith.constant 0 : index
    %swap3A_101 = vector.load %arg3[%swap3A, %swap3A_98, %swap3A_99, %swap3A_100] : memref<1x1x4096x86xf32, #tpu.memory_space<vmem>>, vector<1x1x4096x86xf32>
    %swap3A_102 = vector.shape_cast %swap3A_101 : vector<1x1x4096x86xf32> to vector<4096x86xf32>
    %swap3A_103 = vector.shape_cast %reshape3A : vector<4096x86xf32> to vector<1x1x4096x86xf32>
    tpu.vector_store %arg3[%swap3A, %swap3A_98, %swap3A_99, %swap3A_100], %swap3A_103 {strides = array<i32>} : memref<1x1x4096x86xf32, #tpu.memory_space<vmem>>, vector<1x1x4096x86xf32>,
    return
  }
  func.func @transform_0(%arg0: i32, %arg1: i32) -> (i32, i32, i32, i32) {
    %c0_i32 = arith.constant 0 : i32
    %c0_i32_0 = arith.constant 0 : i32
    %c0_i32_1 = arith.constant 0 : i32
    return %arg0, %arg1, %c0_i32, %c0_i32_0 : i32, i32, i32, i32
  }
  func.func @transform_1(%arg0: i32, %arg1: i32) -> (i32, i32, i32, i32) {
    %c0_i32 = arith.constant 0 : i32
    %c0_i32_0 = arith.constant 0 : i32
    %c0_i32_1 = arith.constant 0 : i32
    return %arg0, %arg1, %c0_i32, %c0_i32_0 : i32, i32, i32, i32
  }
}

</mosaic_0001>

<sc_bundles>
// kernel: sparse-core-data-format-call.cloned.1.call-start
scs
called_computation_lowered:
.L_overlay_start_0:
0x0: {  	s2 =	sld [smem:$0x3FD9]  }
0x1: {  	s3 =	sld [smem:$0x3FFE];
	_ =	sdelay $0x1  }
0x2: {  	s1 =	srdreg.scid  }
0x3: {  	s0 =	sand.u32 $0x1, s1  }
0x4: {  	s18 =	sshll.u32 s0, $0xA;
	s2 =	sadd.s32 s3, s2  }
0x5: {  	s2 =	sadd.s32 s2, s18  }
0x6: {  	[smem:$0x3FC7] =	sst s2  }
0x7: {  	_ = 	snop  }
0x8: {  	s2 =	sld [smem:$0x3FD0];
	(tm) =	ssettm $0x1  }
0x9: {  	s19 =	sld [smem:$0x3FFB];
	_ =	sdelay $0x3  }
0xa: {  	_ =	strace s19  }
0xb: {  	s3 =	sld [smem:$0x3FFC];
	_ =	sdelay $0x3  }
0xc: {  	_ =	strace s3  }
0xd: {  	s3 =	sld [smem:$0x3FFD];
	_ =	sdelay $0x3  }
0xe: {  	_ =	strace s3  }
0xf: {  	_ =	strace $0x8FFFFFFF  }
0x10: {  	s20 =	sld [smem:$0x3FDB];
	_ =	sdelay $0x1  }
0x11: {  	s4 =	simm.s32 $_scs_section_size  }
0x12: {  	s5 =	simm.s32 $_size__tile_overlayer_lowered;
	s6 =	simm.s32 $_tile_overlayer_lowered  }
0x13: {  	s23 =	simm.s32 $0x1BFF;
	s22 =	sshll.u32 s6, $0x1;
	s3 =	sadd.s32 s4, s20  }
0x14: {  	s7 =	simm.s32 $0x0;
	s21 =	sshll.u32 s5, $0x1;
	s5 =	sadd.s32 s22, s3  }
0x15: {  	[timem:s7], [sflag:s23] =	dma.local [hbm:s5], s21  }
0x16: {  	_ =	swait.ge [sflag:s23], s21  }
0x17: {  	s4 =	ssub.s32 $0x0, s21;
	[sflag:s23] =	ssyncset.done $0x0  }
0x18: {  	[sflag:s23] =	ssyncadd.s32 s4;
	_ =	sdelay $0x1  }
0x19: {  	s24 =	simm.s32 $0x1B8B  }
0x1a: {  	_ =	swait.ge [sflag:s24], $0x1  }
0x1b: {  	[sflag:s24] =	ssyncset.done $0x0  }
0x1c: {  	s26 =	simm.s32 $0x1B8E;
	s25 =	sld [smem:$0x3FFE];
	[sflag:s24] =	ssyncadd.s32 $0xFFFFFFFF  }
0x1d: {  	s27 =	simm.s32 $execute0_lowered;
	[smem:$0x3FD2] =	sst s26  }
0x1e: {  	s5 =	sshll.u32 s27, $0x1;
	_ =	strace $0x80000046;
	[dreg:$0x1] =	wrdreg $0xFFFFFFFF  }
0x1f: {  	s28 =	simm.s32 $_size_execute0_lowered;
	s3 =	sadd.s32 s3, s5;
	[dreg:$0x0] =	wrdreg $0x0  }
0x20: {  	s5 =	sshll.u32 s28, $0x1;
	[dreg:$0x2] =	wrdreg s3  }
0x21: {  	[dreg:$0x3] =	wrdreg s5  }
0x22: {  	[dreg:$0x4] =	wrdreg $0xC0  }
0x23: {  	_ =	task [dreg:s7], $0x5FFFF  }
0x24: {  	[dreg:$0x1] =	wrdreg $0xFFFFFFFF  }
0x25: {  	[dreg:$0x0] =	wrdreg $0x60  }
0x26: {  	[dreg:$0x2] =	wrdreg s25  }
0x27: {  	[dreg:$0x3] =	wrdreg s2  }
0x28: {  	[dreg:$0x4] =	wrdreg $0x9  }
0x29: {  	_ =	task.clear_ibuf [dreg:s7], $0x5FFFF;
	_ =	strace $0x90000046  }
0x2a: {  	s29 =	simm.s32 $0x9;
	_ =	strace $0x80000048  }
0x2b: {  	_ =	swait.ge [sflag:s29], $0x1  }
0x2c: {  	[sflag:s29] =	ssyncadd.s32 $0xFFFFFFFF  }
0x2d: {  	_ =	strace $0x90000048  }
0x2e: {  	_ =	sfence  }
0x2f: {  	s30 =	sld [smem:$0x0];
	_ =	sdelay $0x2  }
0x30: {  	s31 =	sshll.u32 s1, $0xD;
	s1 =	sshrl.u32 s1, $0x2  }
0x31: {  	s3 =	sand.u32 $0x4000, s31;
	s1 =	sadd.s32 s1, s30  }
0x32: {  	s0 =	sor.u32 s3, s0;
	s1 =	sshll.u32 s1, $0x11  }
0x33: {  	s0 =	sor.u32 s1, s0  }
0x34: {  	s0 =	sadd.s32 $0x8F2B, s0  }
0x35: {  	[sflag:s0] =	ssyncadd.remote.s32 $0x1  }
0x36: {  	_ =	sfence.sel $0xFFFF  }
0x37: {  	[dreg:$0x0] =	wrdreg $0xFFFFFFFF;
	(pc) =	sbr.abs _section_cstart, $3  }
0x38: {  	[dreg:$0x1] =	wrdreg $0xFFFFFFFF  }
0x39: {  	_ =	task.clear_ibuf [dreg:s7], $0x2FFFF;
	_ =	strace $0x9FFFFFFF  }
0x3a: {  	(tm) =	ssettm $0x7FFFFFFF  }
0x3b: {  	_ =	shalt  }
tec
execute0_lowered:
.L_overlay_start_1:
0x0: {  	(tag) =	ssettag $0x1  }
0x1: {  	s3 =	rddreg [dreg:$0x0];
	s0 =	srdreg.scid  }
0x2: {  	s1 =	rddreg [dreg:$0x1];
	s4 =	simm.s32 $0x1;
	s7 =	simm.s32 $0x2  }
0x3: {  	s14 =	simm.s32 $0x0;
	p0 =	por $0x0, $0x0;
	s15 =	simm.s32 $0x0  }
0x4: {  	s9 =	simm.s32 $0x0;
	s10 =	simm.s32 $0x0;
	s2 =	sshll.u32 s0, $0x7  }
0x5: {  	s12 =	stileid.u32;
	s13 =	simm.s32 $0x0;
	s2 =	sand.u32 $0x80, s2  }
.Ltmp0:
0x6: {  	s0 =	rddreg [dreg:$0x2];
	s6 =	ssub.s32 $0x3000, s2;
	(pc) =	sbr.rel .LBB1_1-.Ltmp0, $4  }
0x7: {  	_ =	strace $0x80000047;
	s5 =	sadd.s32 $0x414400, s3;
	s31 =	sshrl.u32 s6, $0x7  }
0x8: {  	[sflag:s4] =	ssyncpa.u1 $0x0;
	s6 =	sshrl.u32 s6, $0x8;
	s8 =	sand.u32 $0x1, s31  }
0x9: {  	s3 =	stileid.u32;
	[sflag:s7] =	ssyncpa.u1 $0x0;
	s6 =	sadd.s32 s6, s8  }
0xa: {  	s11 =	smov.u32 s2;
	s8 =	simm.s32 $0x30000;
	s7 =	sadd.s32 $0x1, s6  }
.LBB1_4:
0xb: {  	s21 =	sshrl.u32 s10, $0x3;
	s22 =	sshll.u32 s9, $0x3  }
0xc: {  	s23 =	sshll.u32 s10, $0x7;
	s24 =	sand.u32 $0x7F, s9;
	s20 =	sshra.s32 s20, $0x2  }
0xd: {  	p1 =	sgt.s32 s10, $0xF;
	s30 =	sshra.s32 s10, $0x1F;
	s25 =	sshra.s32 s9, $0x1F  }
0xe: {  	s21 =	smul.u32 $0x18000, s21;
	s22 =	sand.u32 $0xFFFFFC00, s22;
	s23 =	sand.u32 $0x380, s23  }
0xf: {  	s19 =	sadd.s32 s20, s19;
	s20 =	smov.u32 s10;
	s26 =	sand.u32 s25, s9  }
0x10: {  	v5 =	vld [tilespmem:s17+$0xFFFFFFD0];
	[tilespmem:s18+$0x2040 ss:$0x81] =	vst.msk $0xffff, v4;
	s28 =	sor.u32 s24, s23;
	s20 =	simm.s32 @!p1 $0xF;
	s24 =	sand.u32 s30, s10  }
0x11: {  	v58 =	vld [tilespmem:s17+$0xFFFFFFE0];
	[tilespmem:s18+$0x2850 ss:$0x81] =	vst.msk $0xffff, v3;
	p1 =	sgt.s32 s9, $0x2F80;
	s21 =	sadd.s32 s21, s22;
	s20 =	ssub.s32 s20, s24  }
0x12: {  	v59 =	vld [tilespmem:s17+$0xFFFFFFF0];
	[tilespmem:s18+$0x3060 ss:$0x81] =	vst.msk $0xffff, v2;
	s24 =	smov.u32 s9;
	s22 =	sor.u32 s21, s28;
	s31 =	smulhi.u32 $0xAAAAAAAB, s21  }
0x13: {  	[tilespmem:s18+$0x0 ss:$0x81] =	vst.msk $0xffff, v1;
	v60 =	vld [tilespmem:s17+$0x0];
	s24 =	simm.s32 @!p1 $0x2F80;
	s27 =	sadd.s32 $0xFFFFFFF1, s20;
	s29 =	smulhi.u32 $0xAAAAAAAB, s22  }
0x14: {  	v61 =	vld [tilespmem:s17+$0x10];
	[tilespmem:s19+$0x3870 ss:$0x81] =	vst.msk $0xffff, v0;
	s20 =	ssub.s32 $0x10, s20;
	s21 =	ssub.s32 s24, s26;
	p1 =	sgt.s32 s27, $0x0  }
0x15: {  	v62 =	vld [tilespmem:s17+$0x20];
	[tilespmem:s19+$0x810 ss:$0x81] =	vst.msk $0xffff, v5;
	s20 =	smul.u32 $0x56, s20;
	s28 =	sadd.s32 $0xFFFFD080, s21;
	s23 =	sshrl.u32 s29, $0xD  }
0x16: {  	v63 =	vld [tilespmem:s17+$0xFFFFFFC0];
	[tilespmem:s19+$0x1020 ss:$0x81] =	vst.msk $0xffff, v58;
	s21 =	ssub.s32 $0x3000, s21;
	s18 =	sshrl.u32 s31, $0xD;
	s29 =	smul.u32 $0x3000, s23  }
0x17: {  	[tilespmem:s19+$0x1830 ss:$0x81] =	vst.msk $0xffff, v59;
	p2 =	sgt.s32 s28, $0x7F;
	s20 =	simm.s32 @p1 $0x0;
	s18 =	sand.u32 $0xF, s18  }
0x18: {  	[tilespmem:s19+$0x2040 ss:$0x81] =	vst.msk $0xffff, v60;
	s21 =	simm.s32 @p2 $0x0;
	s18 =	smul.u32 $0x600, s18;
	s17 =	ssub.s32 s22, s29  }
0x19: {  	[tilespmem:s19+$0x2850 ss:$0x81] =	vst.msk $0xffff, v61;
	s20 =	smul.u32 s21, s20;
	s30 =	sshrl.u32 s17, $0x3;
	s17 =	sand.u32 $0x7, s17  }
0x1a: {  	[tilespmem:s19+$0x3060 ss:$0x81] =	vst.msk $0xffff, v62;
	s21 =	sadd.s32 s1, s30;
	s17 =	sshll.u32 s17, $0x12  }
0x1b: {  	[tilespmem:s19+$0x0 ss:$0x81] =	vst.msk $0xffff, v63;
	s31 =	sand.u32 $0x3FFFFFFE, s20;
	s18 =	sadd.s32 s18, s21;
	s17 =	sor.u32 $0x80, s17  }
0x1c: {  	[hbm4b:s18+s17] =	stream.strided.scatter [tilespmem:s16], [sflag:$0x2], s31, s8, s17, $0x20;
	[tilespmem:$0x10100] =	vst v63  }
.LBB1_5:
0x1d: {  	p1 =	slt.u32 s13, $0x2  }
0x1e: {  	s17 =	smov.u32 s15;
	p2 =	sgt.s32 @!p1 s15, $0xF;
	s16 =	sshra.s32 @!p1 s15, $0x1F  }
0x1f: {  	p3 =	sgt.s32 @!p1 s14, $0x2F80;
	s18 =	sshra.s32 @!p1 s14, $0x1F;
	p2 =	por !p2, p1  }
0x20: {  	s15 =	sand.u32 @!p1 s16, s15;
	p3 =	por !p3, p1;
	s16 =	smov.u32 s14  }
0x21: {  	s14 =	sand.u32 @!p1 s18, s14;
	s17 =	simm.s32 @p2 $0xF;
	s16 =	simm.s32 @p3 $0x2F80  }
0x22: {  	s18 =	smov.u32 s12;
	s15 =	ssub.s32 @!p1 s17, s15;
	s14 =	ssub.s32 @!p1 s16, s14  }
0x23: {  	s16 =	sadd.s32 @!p1 $0xFFFFFFF1, s15;
	s15 =	ssub.s32 @!p1 $0x10, s15;
	s17 =	sadd.s32 @!p1 $0xFFFFD080, s14  }
0x24: {  	p2 =	sgt.s32 @!p1 s16, $0x0;
	s15 =	smul.u32 @!p1 $0x56, s15;
	p3 =	sgt.s32 @!p1 s17, $0x7F  }
0x25: {  	s14 =	ssub.s32 @!p1 $0x3000, s14;
	p2 =	por !p2, p1;
	p3 =	por !p3, p1  }
0x26: {  	s16 =	sadd.s32 $0x100, s11;
	s15 =	simm.s32 @!p2 $0x0;
	s14 =	simm.s32 @!p3 $0x0  }
0x27: {  	p2 =	sgt.s32 s16, $0x2FFF;
	s14 =	smul.u32 @!p1 s14, s15;
	s15 =	sadd.s32 $0x10, s12  }
0x28: {  	s18 =	smov.u32 @p2 s15  }
0x29: {  	s16 =	smov.u32 @p2 s2;
	p2 =	sgt.s32 s18, $0xF  }
0x2a: {  	s18 =	smov.u32 @p2 s3;
	p2 =	sne.s32 s13, s7  }
.Ltmp1:
0x2b: {  	p0 =	por !p0, !p0;
	s17 =	simm.s32 @!p1 $0x2;
	(pc) =	sbr.rel @!p2 .LBB1_6-.Ltmp1, $4  }
0x2c: {  	s15 =	smov.u32 s10;
	s10 =	smov.u32 s12;
	s14 =	sand.u32 @!p1 $0x3FFFFFFE, s14  }
0x2d: {  	_ =	swait.ge @!p1 [sflag:s17], s14;
	s19 =	ssub.s32 @!p1 $0x0, s14;
	s14 =	smov.u32 s9  }
0x2e: {  	s13 =	sadd.s32 $0x1, s13;
	s9 =	smov.u32 s11;
	[sflag:s17] =	ssyncset.done @!p1 $0x0  }
0x2f: {  	s11 =	smov.u32 s16;
	s12 =	smov.u32 s18;
	[sflag:s17] =	ssyncadd.s32 @!p1 s19  }
.LBB1_1:
0x30: {  	p1 =	sge.u32 s13, s6  }
0x31: {  	s16 =	sand.u32 @!p1 $0x1FFFFFF, s11  }
0x32: {  	s17 =	smulhi.u32 @!p1 $0xAAAAAB, s16;
	_ =	sdelay $0x1  }
0x33: {  	s17 =	sshrl.u32 @!p1 s17, $0x5  }
0x34: {  	s17 =	smul.u32 @!p1 $0x3000, s17  }
0x35: {  	s18 =	smul.u32 @!p1 $0x30000, s12  }
0x36: {  	s31 =	sadd.s32 $0xFFFFFFFF, s13;
	s16 =	ssub.s32 @!p1 s16, s17;
	s17 =	sxor.u32 @!p1 $0xFFFFFFFF, s13  }
0x37: {  	s18 =	sadd.s32 @!p1 s5, s18;
	s17 =	sshll.u32 @!p1 s17, $0xE;
	s16 =	sshll.u32 @!p1 s16, $0x4  }
0x38: {  	s17 =	sand.u32 @!p1 $0x4000, s17;
	s16 =	sadd.s32 @!p1 s16, s18;
	s18 =	simm.s32 @!p1 $0x0  }
0x39: {  	[tilespmem:s17], [sflag:$0x1] =	stream.linear.gather @!p1 [hbm4b:s16+s18], $0x4000, $0x38;
	[tilespmem:$0x10100] =	vst v63  }
0x3a: {  	p1 =	sge.u32 s31, s6  }
.Ltmp2:
0x3b: {  	_ = 	snop;
	(pc) =	sbr.rel @p1 .LBB1_5-.Ltmp2, $1  }
0x3c: {  	_ =	sdelay $0x3  }
0x3d: {  	s16 =	simm.s32 $0x1  }
0x3e: {  	_ =	swait.ge [sflag:s4], $0x4000;
	s16 =	simm.s32 @!p0 $0x0  }
0x3f: {  	[sflag:s4] =	ssyncset.done $0x0;
	s17 =	sshll.u32 s16, $0xE  }
0x40: {  	[sflag:s4] =	ssyncadd.s32 $0xFFFFC000;
	s17 =	sor.u32 $0x40, s17  }
0x41: {  	s16 =	smul.u32 $0x10200, s16;
	v0 =	vld [tilespmem:s17+$0x30]  }
0x42: {  	v1 =	vld [tilespmem:s17+$0xFFFFFFD0]  }
0x43: {  	s16 =	sshrl.u32 s16, $0x2;
	v5 =	vld [tilespmem:s17+$0xFFFFFFE0]  }
0x44: {  	v6 =	vld [tilespmem:s17+$0xFFFFFFF0];
	s19 =	sor.u32 $0x8000, s16  }
0x45: {  	s31 =	sand.u32 $0x1, s13;
	v4 =	vld [tilespmem:s17+$0x0];
	s18 =	sadd.s32 $0x0, s19  }
0x46: {  	v3 =	vld [tilespmem:s17+$0x10];
	s16 =	smul.u32 $0x10200, s31;
	[tilespmem:s18+$0x3870 ss:$0x81] =	vst.msk $0xffff, v0  }
0x47: {  	v2 =	vld [tilespmem:s17+$0x20];
	[tilespmem:s18+$0x810 ss:$0x81] =	vst.msk $0xffff, v1  }
0x48: {  	s16 =	sshrl.u32 s16, $0x2;
	v1 =	vld [tilespmem:s17+$0xFFFFFFC0];
	[tilespmem:s18+$0x1020 ss:$0x81] =	vst.msk $0xffff, v5;
	s17 =	sadd.s32 $0x80, s17  }
0x49: {  	s20 =	simm.s32 $0x4;
	s21 =	simm.s32 $0x8;
	s16 =	sor.u32 $0x8000, s16;
	[tilespmem:s18+$0x1830 ss:$0x81] =	vst.msk $0xffff, v6;
	v0 =	vld [tilespmem:s17+$0x30]  }
.LBB1_3:
0x4a: {  	p1 =	sne.s32 s21, $0x1FC;
	v5 =	vld [tilespmem:s17+$0xFFFFFFD0];
	[tilespmem:s18+$0x2040 ss:$0x81] =	vst.msk $0xffff, v4  }
0x4b: {  	v6 =	vld [tilespmem:s17+$0xFFFFFFE0];
	[tilespmem:s18+$0x2850 ss:$0x81] =	vst.msk $0xffff, v3  }
0x4c: {  	s22 =	sshra.s32 s20, $0x2;
	s20 =	smov.u32 s21;
	v7 =	vld [tilespmem:s17+$0xFFFFFFF0];
	[tilespmem:s18+$0x3060 ss:$0x81] =	vst.msk $0xffff, v2  }
.Ltmp3:
0x4d: {  	v4 =	vld [tilespmem:s17+$0x0];
	[tilespmem:s18+$0x0 ss:$0x81] =	vst.msk $0xffff, v1;
	s18 =	sadd.s32 s22, s19;
	(pc) =	sbr.rel @p1 .LBB1_3-.Ltmp3, $4  }
0x4e: {  	v3 =	vld [tilespmem:s17+$0x10];
	[tilespmem:s18+$0x3870 ss:$0x81] =	vst.msk $0xffff, v0  }
0x4f: {  	[tilespmem:s18+$0x810 ss:$0x81] =	vst.msk $0xffff, v5;
	v2 =	vld [tilespmem:s17+$0x20]  }
0x50: {  	v1 =	vld [tilespmem:s17+$0xFFFFFFC0];
	[tilespmem:s18+$0x1020 ss:$0x81] =	vst.msk $0xffff, v6;
	s17 =	sadd.s32 $0x80, s17  }
0x51: {  	s21 =	sadd.s32 $0x4, s21;
	v0 =	vld [tilespmem:s17+$0x30];
	[tilespmem:s18+$0x1830 ss:$0x81] =	vst.msk $0xffff, v7  }
.Ltmp4:
0x52: {  	_ = 	snop;
	(pc) =	sbr.rel .LBB1_4-.Ltmp4, $1  }
0x53: {  	_ =	sdelay $0x3  }
.LBB1_6:
0x54: {  	_ =	sfence.sel $0x180000  }
0x55: {  	s1 =	simm.s32 $0x1;
	[bflag:$0x0] =	sbarrier.arrive $0xFFFF  }
0x56: {  	s31 =	simm.s32 $0x2;
	[sflag:s1] =	ssyncpa.u1 $0x1  }
0x57: {  	[sflag:s31] =	ssyncpa.u1 $0x1  }
0x58: {  	p0 =	sne.s32 s3, $0x0;
	_ =	strace $0x90000047  }
0x59: {  	s0 =	sadd.s32 @!p0 $0x100000, s0;
	[bflag:$0x2] =	sbarrier.arrive $0xFFFF  }
0x5a: {  	[sflag:s0] =	ssyncadd.tile.s32 @!p0 $0x1;
	_ =	shalt  }
.Lfunc_end1:
_tile_overlayer_lowered:
.L_overlay_start_2:
0x5b: {  	(tag) =	ssettag $0x2  }
0x5c: {  	s0 =	rddreg [dreg:$0x0];
	s2 =	stileid.u32  }
0x5d: {  	s1 =	rddreg [dreg:$0x1];
	p0 =	sne.s32 s2, $0x0  }
0x5e: {  	s3 =	rddreg [dreg:$0x2];
	[bflag:$0x3] =	sbarrier.arrive $0xFFFF;
	s2 =	simm.s32 @!p0 $0x1C01  }
0x5f: {  	[timem:s3], [sflag:s2] =	dma.local @!p0 [hbm:s0], s1  }
0x60: {  	s0 =	simm.s32 @!p0 $0x1  }
0x61: {  	_ =	swait.ge @!p0 [sflag:s0], s1  }
0x62: {  	s1 =	ssub.s32 @!p0 $0x0, s1;
	[sflag:s0] =	ssyncset.done @!p0 $0x0  }
0x63: {  	[sflag:s0] =	ssyncadd.s32 @!p0 s1  }
0x64: {  	[bflag:$0x3] =	sbarrier.arrive $0xFFFF  }
0x65: {  	_ =	shalt  }

</sc_bundles>
